<compile_context>
chip_gen: v7x
topology: tpu7x:2x2x1
jax: 0.10.2.dev20260603
libtpu: 0.0.44.dev20260713+nightly
codegen_flags: <defaults>
</compile_context>

<pallas_src>
import functools

import jax
import jax.numpy as jnp
from jax import lax
from jax.experimental import pallas as pl
from jax.experimental.pallas import tpu as pltpu
from jax.experimental.pallas import tpu_sc as plsc

NUM_BITS = 6
N = 64


def _pair_table_body(map_ref, out_ref):
    block = out_ref.shape[0]
    base = pl.program_id(0) * block
    v = base + lax.broadcasted_iota(jnp.int32, (block, 1), 0)
    hi = v >> NUM_BITS
    lo = v & (N - 1)
    cols = lax.broadcasted_iota(jnp.int32, (1, N), 1)
    oh_hi = (hi == cols).astype(jnp.float32)
    oh_lo = (lo == cols).astype(jnp.float32)
    m = map_ref[...]
    out_ref[:, :N] = jnp.dot(oh_hi, m, preferred_element_type=jnp.float32)
    out_ref[:, N:] = jnp.dot(oh_lo, m, preferred_element_type=jnp.float32)


def _pair_table(mapping, block=512):
    v_total = N * N
    grid = (v_total // block,)
    return pl.pallas_call(
        _pair_table_body,
        grid=grid,
        in_specs=[pl.BlockSpec((N, N), lambda i: (0, 0))],
        out_specs=pl.BlockSpec((block, 2 * N), lambda i: (i, 0)),
        out_shape=jax.ShapeDtypeStruct((v_total, 2 * N), jnp.float32),
    )(mapping)


def _pack_body(bits_ref, w_ref, idx_ref):
    acc = jnp.dot(bits_ref[...], w_ref[...], preferred_element_type=jnp.float32)
    idx_ref[...] = acc.astype(jnp.int32)


def _pack_indices(bits, w, block_rows):
    batch, feat = bits.shape
    num_pair = feat // (2 * NUM_BITS)
    grid = (batch // block_rows,)
    return pl.pallas_call(
        _pack_body,
        grid=grid,
        in_specs=[
            pl.BlockSpec((block_rows, feat), lambda i: (i, 0)),
            pl.BlockSpec((feat, num_pair), lambda i: (0, 0)),
        ],
        out_specs=pl.BlockSpec((block_rows, num_pair), lambda i: (i, 0)),
        out_shape=jax.ShapeDtypeStruct((batch, num_pair), jnp.int32),
    )(bits, w)


def _sc_info():
    try:
        info = plsc.get_sparse_core_info()
        return info.num_cores, info.num_subcores
    except Exception:
        return 2, 16


def _gather_rows(table2, idx_flat, total_rows, row_w):
    nc, ns = _sc_info()
    nw = nc * ns
    b_per_w = total_rows // nw
    chunk = min(256, b_per_w)
    sub = min(128, chunk)
    n_sub = chunk // sub
    n_chunks = b_per_w // chunk
    mesh = plsc.VectorSubcoreMesh(core_axis_name="c", subcore_axis_name="s")

    @functools.partial(
        pl.kernel,
        out_type=jax.ShapeDtypeStruct((total_rows, row_w), jnp.float32),
        mesh=mesh,
        scratch_types=[
            pltpu.VMEM((b_per_w,), jnp.int32),
            pltpu.VMEM((chunk, row_w), jnp.float32),
            pltpu.VMEM((chunk, row_w), jnp.float32),
            pltpu.VMEM_SHARED((N * N, row_w), jnp.float32),
            pltpu.SemaphoreType.DMA,
            pltpu.SemaphoreType.DMA,
            pltpu.SemaphoreType.DMA,
        ],
        compiler_params=pltpu.CompilerParams(use_tc_tiling_on_sc=False),
    )
    def gather_kernel(table_hbm, idx_hbm, out_hbm, idx_v, rows0, rows1, table_sh, g0, g1, ssem):
        wid = lax.axis_index("s") * nc + lax.axis_index("c")
        base = wid * b_per_w

        @pl.when(lax.axis_index("s") == 0)
        def _():
            pltpu.sync_copy(table_hbm, table_sh)

        pltpu.sync_copy(idx_hbm.at[pl.ds(base, b_per_w)], idx_v)
        plsc.subcore_barrier()

        def fire_gather(c, rows_v, sem):
            for k in range(n_sub):
                pltpu.async_copy(
                    table_sh.at[idx_v.at[pl.ds(c * chunk + k * sub, sub)]],
                    rows_v.at[pl.ds(k * sub, sub)],
                    sem,
                )

        def wait_gather(rows_v, sem):
            pltpu.make_async_copy(
                out_hbm.at[pl.ds(base, chunk)], rows_v, sem
            ).wait()

        def emit_chunk(c, rows_v, gsem):
            wait_gather(rows_v, gsem)
            out_cp = pltpu.async_copy(
                rows_v, out_hbm.at[pl.ds(base + c * chunk, chunk)], ssem
            )
            out_cp.wait()

            @pl.when(c + 2 < n_chunks)
            def _():
                fire_gather(c + 2, rows_v, gsem)

        fire_gather(0, rows0, g0)
        if n_chunks > 1:
            fire_gather(1, rows1, g1)

        def body(t, carry):
            a = 2 * t
            emit_chunk(a, rows0, g0)
            emit_chunk(a + 1, rows1, g1)
            return carry

        lax.fori_loop(0, n_chunks // 2, body, 0)

    return gather_kernel(table2, idx_flat)


def kernel(inputs, mapping_array):
    batch, feat = inputs.shape
    pair_bits = 2 * NUM_BITS
    num_pair = feat // pair_bits

    shifts = 2 ** jnp.arange(pair_bits - 1, -1, -1, dtype=jnp.float32)
    w = jnp.zeros((feat, num_pair), jnp.float32)
    cols = jnp.repeat(jnp.arange(num_pair), pair_bits)
    rows = jnp.arange(feat)
    w = w.at[rows, cols].set(jnp.tile(shifts, num_pair))

    table2 = _pair_table(mapping_array)
    idx2 = _pack_indices(inputs, w, block_rows=512)
    idx_flat = idx2.reshape(batch * num_pair)
    out = _gather_rows(table2, idx_flat, batch * num_pair, 2 * N)
    return out.reshape(batch, num_pair * 2 * N)

# --- scband reference (transcript-rebuilt; emitter-appended) ---
"""Pipeline reference for scband-ccskmodulator-39960375722131 (READ-ONLY COPY).

The authoritative reference and input builder live on the scoring server;
editing this copy changes nothing except your own understanding.
"""

import jax, jax.numpy as jnp
import numpy as np

ROOT = np.array([1.0,-1.0,-1.0,1.0,-1.0,1.0,1.0,-1.0,1.0,1.0,-1.0,-1.0,1.0,-1.0,1.0,1.0,-1.0,1.0,-1.0,1.0,1.0,-1.0,-1.0,1.0,-1.0,-1.0,1.0,1.0,-1.0,1.0,-1.0,-1.0,1.0,-1.0,1.0,1.0,-1.0,-1.0,1.0,-1.0,1.0,-1.0,1.0,1.0,-1.0,1.0,1.0,-1.0,-1.0,1.0,-1.0,-1.0,1.0,1.0,-1.0,1.0,-1.0,1.0,-1.0,-1.0,1.0,1.0,-1.0,1.0], dtype=np.float32)
N = 64
NUM_BITS = 6
BATCH = 4096
NUM_CCSK = 128


def setup_inputs(seed: int = 0) -> dict:
    key = jax.random.key(seed)
    bits = jax.random.randint(key, (BATCH, NUM_CCSK * NUM_BITS), 0, 2).astype(jnp.float32)
    root = jnp.asarray(ROOT)
    # mapping_array[shift] = tf.roll(root, shift, axis=0), shape [N, N]
    mapping_array = jnp.stack([jnp.roll(root, shift, axis=0) for shift in range(N)], axis=0)
    return {"inputs": bits, "mapping_array": mapping_array}


def reference(inputs, mapping_array):
    batch = inputs.shape[0]
    num_ccsk = inputs.shape[-1] // NUM_BITS
    inputs_reshaped = inputs.reshape(batch, num_ccsk, NUM_BITS).astype(jnp.int32)
    binary_shift = jnp.arange(NUM_BITS - 1, -1, -1, dtype=jnp.int32)
    int_rep = jnp.sum(jnp.left_shift(inputs_reshaped, binary_shift), axis=-1)  # [B, num_ccsk]
    x = jnp.take(mapping_array, int_rep, axis=0)  # [B, num_ccsk, N] gather of cyclic shifts
    # sn.utils.flatten_last_dims(x, num_dims=2)
    x = x.reshape(batch, num_ccsk * N)
    return x

if __name__ == "__main__":
    import jax
    _d = setup_inputs()
    print(jax.jit(kernel)(*tuple(_d.values())))

</pallas_src>

<mosaic_0001>
#map = affine_map<(d0, d1) -> (0, 0)>
#map1 = affine_map<(d0, d1) -> (0)>
module attributes {stable_mosaic.version = 14 : i64} {
  func.func @gather_kernel(%arg0: i32, %arg1: i32, %arg2: memref<4096x128xf32, #tpu.memory_space<hbm>>, %arg3: memref<262144xi32, #tpu.memory_space<hbm>>, %arg4: memref<262144x128xf32, #tpu.memory_space<hbm>>, %arg5: memref<8192xi32, #tpu.memory_space<vmem>>, %arg6: memref<256x128xf32, #tpu.memory_space<vmem>>, %arg7: memref<256x128xf32, #tpu.memory_space<vmem>>, %arg8: memref<4096x128xf32, #tpu.memory_space<vmem_shared>>, %arg9: memref<!tpu.dma_semaphore, #tpu.memory_space<semaphore_mem>>, %arg10: memref<!tpu.dma_semaphore, #tpu.memory_space<semaphore_mem>>, %arg11: memref<!tpu.dma_semaphore, #tpu.memory_space<semaphore_mem>>) attributes {dimension_semantics = [#tpu.dimension_semantics<core_parallel>, #tpu.dimension_semantics<subcore_parallel>], iteration_bounds = array<i64: 2, 16>, scalar_prefetch = 0 : i64, scratch_operands = 7 : i64, tpu.core_type = #tpu.core_type<sc_vector_subcore>, window_params = [{transform_indices = #map}, {transform_indices = #map1}, {transform_indices = #map}]} {
    %mul3A = arith.constant 2 : i32
    %mul3A_0 = arith.muli %arg1, %mul3A : i32
    %add3A = arith.addi %mul3A_0, %arg0 : i32
    %mul3A_1 = arith.constant 8192 : i32
    %mul3A_2 = arith.muli %add3A, %mul3A_1 : i32
    %eq3A = arith.constant 0 : i32
    %eq3A_3 = arith.cmpi eq, %arg1, %eq3A : i32
    %convert_element_type3A = arith.extui %eq3A_3 : i1 to i32
    %cond3A = arith.constant 0 : i32
    %cond3A_4 = arith.cmpi ne, %convert_element_type3A, %cond3A : i32
    scf.if %cond3A_4 {
      "tpu.region"() ({
        %run_scoped3A = tpu.sem_alloc : memref<!tpu.dma_semaphore, #tpu.memory_space<semaphore_mem>>
        tpu.enqueue_dma source(%arg2 : memref<4096x128xf32, #tpu.memory_space<hbm>>) target(%arg8 : memref<4096x128xf32, #tpu.memory_space<vmem_shared>>) target_semaphore(%run_scoped3A : memref<!tpu.dma_semaphore, #tpu.memory_space<semaphore_mem>>)
        tpu.wait_dma2 semaphore(%run_scoped3A : memref<!tpu.dma_semaphore, #tpu.memory_space<semaphore_mem>>) src(%arg2 : memref<4096x128xf32, #tpu.memory_space<hbm>>) dst(%arg8 : memref<4096x128xf32, #tpu.memory_space<vmem_shared>>)
        tpu.yield
      }) : () -> ()
    } else {
    }
    "tpu.region"() ({
      %run_scoped3A = tpu.sem_alloc : memref<!tpu.dma_semaphore, #tpu.memory_space<semaphore_mem>>
      %dma_start3A_41 = tpu.memref_slice %arg3[%mul3A_2] : memref<262144xi32, #tpu.memory_space<hbm>> -> memref<8192xi32, #tpu.memory_space<hbm>>
      %dma_start3A_42 = tpu.memref_slice %arg3[%mul3A_2] : memref<262144xi32, #tpu.memory_space<hbm>> -> memref<8192xi32, #tpu.memory_space<hbm>>
      tpu.enqueue_dma source(%dma_start3A_42 : memref<8192xi32, #tpu.memory_space<hbm>>) target(%arg5 : memref<8192xi32, #tpu.memory_space<vmem>>) target_semaphore(%run_scoped3A : memref<!tpu.dma_semaphore, #tpu.memory_space<semaphore_mem>>)
      %dma_wait3A = tpu.memref_slice %arg3[%mul3A_2] : memref<262144xi32, #tpu.memory_space<hbm>> -> memref<8192xi32, #tpu.memory_space<hbm>>
      %dma_wait3A_43 = tpu.memref_slice %arg3[%mul3A_2] : memref<262144xi32, #tpu.memory_space<hbm>> -> memref<8192xi32, #tpu.memory_space<hbm>>
      tpu.wait_dma2 semaphore(%run_scoped3A : memref<!tpu.dma_semaphore, #tpu.memory_space<semaphore_mem>>) src(%dma_wait3A_43 : memref<8192xi32, #tpu.memory_space<hbm>>) dst(%arg5 : memref<8192xi32, #tpu.memory_space<vmem>>)
      tpu.yield
    }) : () -> ()
    %barrier3A = arith.constant 0 : index
    tpu.barrier barrier_id(%barrier3A)
    %dma_start3A = arith.constant 0 : i32
    %dma_start3A_5 = arith.constant 0 : i32
    %dma_start3A_6 = tpu.memref_slice %arg6[%dma_start3A, %dma_start3A_5] : memref<256x128xf32, #tpu.memory_space<vmem>> -> memref<128x128xf32, #tpu.memory_space<vmem>>
    %dma_start3A_7 = arith.constant 0 : i32
    %dma_start3A_8 = tpu.memref_slice %arg5[%dma_start3A_7] : memref<8192xi32, #tpu.memory_space<vmem>> -> memref<128xi32, #tpu.memory_space<vmem>>
    %dma_start3A_9 = arith.constant 0 : i32
    %dma_start3A_10 = arith.constant 0 : i32
    %dma_start3A_11 = tpu.memref_slice %arg8[%dma_start3A_9, %dma_start3A_10] : memref<4096x128xf32, #tpu.memory_space<vmem_shared>> -> memref<4096x128xf32, #tpu.memory_space<vmem_shared>>
    tpu.enqueue_indirect_dma source(%dma_start3A_11 : memref<4096x128xf32, #tpu.memory_space<vmem_shared>>) target(%dma_start3A_6 : memref<128x128xf32, #tpu.memory_space<vmem>>) offsets(%dma_start3A_8 : memref<128xi32, #tpu.memory_space<vmem>>) semaphore(%arg9 : memref<!tpu.dma_semaphore, #tpu.memory_space<semaphore_mem>>)
    %dma_start3A_12 = arith.constant 128 : i32
    %dma_start3A_13 = arith.constant 0 : i32
    %dma_start3A_14 = tpu.memref_slice %arg6[%dma_start3A_12, %dma_start3A_13] : memref<256x128xf32, #tpu.memory_space<vmem>> -> memref<128x128xf32, #tpu.memory_space<vmem>>
    %dma_start3A_15 = arith.constant 128 : i32
    %dma_start3A_16 = tpu.memref_slice %arg5[%dma_start3A_15] : memref<8192xi32, #tpu.memory_space<vmem>> -> memref<128xi32, #tpu.memory_space<vmem>>
    %dma_start3A_17 = arith.constant 0 : i32
    %dma_start3A_18 = arith.constant 0 : i32
    %dma_start3A_19 = tpu.memref_slice %arg8[%dma_start3A_17, %dma_start3A_18] : memref<4096x128xf32, #tpu.memory_space<vmem_shared>> -> memref<4096x128xf32, #tpu.memory_space<vmem_shared>>
    tpu.enqueue_indirect_dma source(%dma_start3A_19 : memref<4096x128xf32, #tpu.memory_space<vmem_shared>>) target(%dma_start3A_14 : memref<128x128xf32, #tpu.memory_space<vmem>>) offsets(%dma_start3A_16 : memref<128xi32, #tpu.memory_space<vmem>>) semaphore(%arg9 : memref<!tpu.dma_semaphore, #tpu.memory_space<semaphore_mem>>)
    %dma_start3A_20 = arith.constant 0 : i32
    %dma_start3A_21 = arith.constant 0 : i32
    %dma_start3A_22 = tpu.memref_slice %arg7[%dma_start3A_20, %dma_start3A_21] : memref<256x128xf32, #tpu.memory_space<vmem>> -> memref<128x128xf32, #tpu.memory_space<vmem>>
    %dma_start3A_23 = arith.constant 256 : i32
    %dma_start3A_24 = tpu.memref_slice %arg5[%dma_start3A_23] : memref<8192xi32, #tpu.memory_space<vmem>> -> memref<128xi32, #tpu.memory_space<vmem>>
    %dma_start3A_25 = arith.constant 0 : i32
    %dma_start3A_26 = arith.constant 0 : i32
    %dma_start3A_27 = tpu.memref_slice %arg8[%dma_start3A_25, %dma_start3A_26] : memref<4096x128xf32, #tpu.memory_space<vmem_shared>> -> memref<4096x128xf32, #tpu.memory_space<vmem_shared>>
    tpu.enqueue_indirect_dma source(%dma_start3A_27 : memref<4096x128xf32, #tpu.memory_space<vmem_shared>>) target(%dma_start3A_22 : memref<128x128xf32, #tpu.memory_space<vmem>>) offsets(%dma_start3A_24 : memref<128xi32, #tpu.memory_space<vmem>>) semaphore(%arg10 : memref<!tpu.dma_semaphore, #tpu.memory_space<semaphore_mem>>)
    %dma_start3A_28 = arith.constant 128 : i32
    %dma_start3A_29 = arith.constant 0 : i32
    %dma_start3A_30 = tpu.memref_slice %arg7[%dma_start3A_28, %dma_start3A_29] : memref<256x128xf32, #tpu.memory_space<vmem>> -> memref<128x128xf32, #tpu.memory_space<vmem>>
    %dma_start3A_31 = arith.constant 384 : i32
    %dma_start3A_32 = tpu.memref_slice %arg5[%dma_start3A_31] : memref<8192xi32, #tpu.memory_space<vmem>> -> memref<128xi32, #tpu.memory_space<vmem>>
    %dma_start3A_33 = arith.constant 0 : i32
    %dma_start3A_34 = arith.constant 0 : i32
    %dma_start3A_35 = tpu.memref_slice %arg8[%dma_start3A_33, %dma_start3A_34] : memref<4096x128xf32, #tpu.memory_space<vmem_shared>> -> memref<4096x128xf32, #tpu.memory_space<vmem_shared>>
    tpu.enqueue_indirect_dma source(%dma_start3A_35 : memref<4096x128xf32, #tpu.memory_space<vmem_shared>>) target(%dma_start3A_30 : memref<128x128xf32, #tpu.memory_space<vmem>>) offsets(%dma_start3A_32 : memref<128xi32, #tpu.memory_space<vmem>>) semaphore(%arg10 : memref<!tpu.dma_semaphore, #tpu.memory_space<semaphore_mem>>)
    %scan3A = arith.constant 0 : i32
    %scan3A_36 = arith.constant 0 : i32
    %scan3A_37 = arith.constant 16 : i32
    %scan3A_38 = arith.addi %scan3A_36, %scan3A_37 : i32
    %scan3A_39 = arith.constant 1 : i32
    scf.for %scan3A_41 = %scan3A_36 to %scan3A_38 step %scan3A_39  : i32 {
      %mul3A_42 = arith.constant 2 : i32
      %mul3A_43 = arith.muli %mul3A_42, %scan3A_41 : i32
      %dma_wait3A = arith.constant 0 : i32
      %dma_wait3A_44 = tpu.memref_slice %arg4[%mul3A_2, %dma_wait3A] : memref<262144x128xf32, #tpu.memory_space<hbm>> -> memref<256x128xf32, #tpu.memory_space<hbm>>
      %dma_wait3A_45 = arith.constant 0 : i32
      %dma_wait3A_46 = tpu.memref_slice %arg4[%mul3A_2, %dma_wait3A_45] : memref<262144x128xf32, #tpu.memory_space<hbm>> -> memref<256x128xf32, #tpu.memory_space<hbm>>
      tpu.wait_dma2 semaphore(%arg9 : memref<!tpu.dma_semaphore, #tpu.memory_space<semaphore_mem>>) src(%dma_wait3A_46 : memref<256x128xf32, #tpu.memory_space<hbm>>) dst(%arg6 : memref<256x128xf32, #tpu.memory_space<vmem>>)
      %mul3A_47 = arith.constant 256 : i32
      %mul3A_48 = arith.muli %mul3A_43, %mul3A_47 : i32
      %add3A_49 = arith.addi %mul3A_2, %mul3A_48 : i32
      %dma_start3A_50 = arith.constant 0 : i32
      %dma_start3A_51 = tpu.memref_slice %arg4[%add3A_49, %dma_start3A_50] : memref<262144x128xf32, #tpu.memory_space<hbm>> -> memref<256x128xf32, #tpu.memory_space<hbm>>
      %dma_start3A_52 = arith.constant 0 : i32
      %dma_start3A_53 = tpu.memref_slice %arg4[%add3A_49, %dma_start3A_52] : memref<262144x128xf32, #tpu.memory_space<hbm>> -> memref<256x128xf32, #tpu.memory_space<hbm>>
      tpu.enqueue_dma source(%arg6 : memref<256x128xf32, #tpu.memory_space<vmem>>) target(%dma_start3A_53 : memref<256x128xf32, #tpu.memory_space<hbm>>) target_semaphore(%arg11 : memref<!tpu.dma_semaphore, #tpu.memory_space<semaphore_mem>>)
      %dma_wait3A_54 = arith.constant 0 : i32
      %dma_wait3A_55 = tpu.memref_slice %arg4[%add3A_49, %dma_wait3A_54] : memref<262144x128xf32, #tpu.memory_space<hbm>> -> memref<256x128xf32, #tpu.memory_space<hbm>>
      %dma_wait3A_56 = arith.constant 0 : i32
      %dma_wait3A_57 = tpu.memref_slice %arg4[%add3A_49, %dma_wait3A_56] : memref<262144x128xf32, #tpu.memory_space<hbm>> -> memref<256x128xf32, #tpu.memory_space<hbm>>
      tpu.wait_dma2 semaphore(%arg11 : memref<!tpu.dma_semaphore, #tpu.memory_space<semaphore_mem>>) src(%arg6 : memref<256x128xf32, #tpu.memory_space<vmem>>) dst(%dma_wait3A_57 : memref<256x128xf32, #tpu.memory_space<hbm>>)
      %add3A_58 = arith.constant 2 : i32
      %add3A_59 = arith.addi %mul3A_43, %add3A_58 : i32
      %lt3A = arith.constant 32 : i32
      %lt3A_60 = arith.cmpi slt, %add3A_59, %lt3A : i32
      %convert_element_type3A_61 = arith.extui %lt3A_60 : i1 to i32
      %cond3A_62 = arith.constant 0 : i32
      %cond3A_63 = arith.cmpi ne, %convert_element_type3A_61, %cond3A_62 : i32
      scf.if %cond3A_63 {
        %add3A_88 = arith.constant 2 : i32
        %add3A_89 = arith.addi %mul3A_43, %add3A_88 : i32
        %mul3A_90 = arith.constant 256 : i32
        %mul3A_91 = arith.muli %add3A_89, %mul3A_90 : i32
        %add3A_92 = arith.constant 0 : i32
        %add3A_93 = arith.addi %mul3A_91, %add3A_92 : i32
        %dma_start3A_94 = arith.constant 0 : i32
        %dma_start3A_95 = arith.constant 0 : i32
        %dma_start3A_96 = tpu.memref_slice %arg6[%dma_start3A_94, %dma_start3A_95] : memref<256x128xf32, #tpu.memory_space<vmem>> -> memref<128x128xf32, #tpu.memory_space<vmem>>
        %dma_start3A_97 = tpu.memref_slice %arg5[%add3A_93] : memref<8192xi32, #tpu.memory_space<vmem>> -> memref<128xi32, #tpu.memory_space<vmem>>
        %dma_start3A_98 = arith.constant 0 : i32
        %dma_start3A_99 = arith.constant 0 : i32
        %dma_start3A_100 = tpu.memref_slice %arg8[%dma_start3A_98, %dma_start3A_99] : memref<4096x128xf32, #tpu.memory_space<vmem_shared>> -> memref<4096x128xf32, #tpu.memory_space<vmem_shared>>
        tpu.enqueue_indirect_dma source(%dma_start3A_100 : memref<4096x128xf32, #tpu.memory_space<vmem_shared>>) target(%dma_start3A_96 : memref<128x128xf32, #tpu.memory_space<vmem>>) offsets(%dma_start3A_97 : memref<128xi32, #tpu.memory_space<vmem>>) semaphore(%arg9 : memref<!tpu.dma_semaphore, #tpu.memory_space<semaphore_mem>>)
        %mul3A_101 = arith.constant 256 : i32
        %mul3A_102 = arith.muli %add3A_89, %mul3A_101 : i32
        %add3A_103 = arith.constant 128 : i32
        %add3A_104 = arith.addi %mul3A_102, %add3A_103 : i32
        %dma_start3A_105 = arith.constant 128 : i32
        %dma_start3A_106 = arith.constant 0 : i32
        %dma_start3A_107 = tpu.memref_slice %arg6[%dma_start3A_105, %dma_start3A_106] : memref<256x128xf32, #tpu.memory_space<vmem>> -> memref<128x128xf32, #tpu.memory_space<vmem>>
        %dma_start3A_108 = tpu.memref_slice %arg5[%add3A_104] : memref<8192xi32, #tpu.memory_space<vmem>> -> memref<128xi32, #tpu.memory_space<vmem>>
        %dma_start3A_109 = arith.constant 0 : i32
        %dma_start3A_110 = arith.constant 0 : i32
        %dma_start3A_111 = tpu.memref_slice %arg8[%dma_start3A_109, %dma_start3A_110] : memref<4096x128xf32, #tpu.memory_space<vmem_shared>> -> memref<4096x128xf32, #tpu.memory_space<vmem_shared>>
        tpu.enqueue_indirect_dma source(%dma_start3A_111 : memref<4096x128xf32, #tpu.memory_space<vmem_shared>>) target(%dma_start3A_107 : memref<128x128xf32, #tpu.memory_space<vmem>>) offsets(%dma_start3A_108 : memref<128xi32, #tpu.memory_space<vmem>>) semaphore(%arg9 : memref<!tpu.dma_semaphore, #tpu.memory_space<semaphore_mem>>)
      } else {
      }
      %add3A_64 = arith.constant 1 : i32
      %add3A_65 = arith.addi %mul3A_43, %add3A_64 : i32
      %dma_wait3A_66 = arith.constant 0 : i32
      %dma_wait3A_67 = tpu.memref_slice %arg4[%mul3A_2, %dma_wait3A_66] : memref<262144x128xf32, #tpu.memory_space<hbm>> -> memref<256x128xf32, #tpu.memory_space<hbm>>
      %dma_wait3A_68 = arith.constant 0 : i32
      %dma_wait3A_69 = tpu.memref_slice %arg4[%mul3A_2, %dma_wait3A_68] : memref<262144x128xf32, #tpu.memory_space<hbm>> -> memref<256x128xf32, #tpu.memory_space<hbm>>
      tpu.wait_dma2 semaphore(%arg10 : memref<!tpu.dma_semaphore, #tpu.memory_space<semaphore_mem>>) src(%dma_wait3A_69 : memref<256x128xf32, #tpu.memory_space<hbm>>) dst(%arg7 : memref<256x128xf32, #tpu.memory_space<vmem>>)
      %mul3A_70 = arith.constant 256 : i32
      %mul3A_71 = arith.muli %add3A_65, %mul3A_70 : i32
      %add3A_72 = arith.addi %mul3A_2, %mul3A_71 : i32
      %dma_start3A_73 = arith.constant 0 : i32
      %dma_start3A_74 = tpu.memref_slice %arg4[%add3A_72, %dma_start3A_73] : memref<262144x128xf32, #tpu.memory_space<hbm>> -> memref<256x128xf32, #tpu.memory_space<hbm>>
      %dma_start3A_75 = arith.constant 0 : i32
      %dma_start3A_76 = tpu.memref_slice %arg4[%add3A_72, %dma_start3A_75] : memref<262144x128xf32, #tpu.memory_space<hbm>> -> memref<256x128xf32, #tpu.memory_space<hbm>>
      tpu.enqueue_dma source(%arg7 : memref<256x128xf32, #tpu.memory_space<vmem>>) target(%dma_start3A_76 : memref<256x128xf32, #tpu.memory_space<hbm>>) target_semaphore(%arg11 : memref<!tpu.dma_semaphore, #tpu.memory_space<semaphore_mem>>)
      %dma_wait3A_77 = arith.constant 0 : i32
      %dma_wait3A_78 = tpu.memref_slice %arg4[%add3A_72, %dma_wait3A_77] : memref<262144x128xf32, #tpu.memory_space<hbm>> -> memref<256x128xf32, #tpu.memory_space<hbm>>
      %dma_wait3A_79 = arith.constant 0 : i32
      %dma_wait3A_80 = tpu.memref_slice %arg4[%add3A_72, %dma_wait3A_79] : memref<262144x128xf32, #tpu.memory_space<hbm>> -> memref<256x128xf32, #tpu.memory_space<hbm>>
      tpu.wait_dma2 semaphore(%arg11 : memref<!tpu.dma_semaphore, #tpu.memory_space<semaphore_mem>>) src(%arg7 : memref<256x128xf32, #tpu.memory_space<vmem>>) dst(%dma_wait3A_80 : memref<256x128xf32, #tpu.memory_space<hbm>>)
      %add3A_81 = arith.constant 2 : i32
      %add3A_82 = arith.addi %add3A_65, %add3A_81 : i32
      %lt3A_83 = arith.constant 32 : i32
      %lt3A_84 = arith.cmpi slt, %add3A_82, %lt3A_83 : i32
      %convert_element_type3A_85 = arith.extui %lt3A_84 : i1 to i32
      %cond3A_86 = arith.constant 0 : i32
      %cond3A_87 = arith.cmpi ne, %convert_element_type3A_85, %cond3A_86 : i32
      scf.if %cond3A_87 {
        %add3A_88 = arith.constant 2 : i32
        %add3A_89 = arith.addi %add3A_65, %add3A_88 : i32
        %mul3A_90 = arith.constant 256 : i32
        %mul3A_91 = arith.muli %add3A_89, %mul3A_90 : i32
        %add3A_92 = arith.constant 0 : i32
        %add3A_93 = arith.addi %mul3A_91, %add3A_92 : i32
        %dma_start3A_94 = arith.constant 0 : i32
        %dma_start3A_95 = arith.constant 0 : i32
        %dma_start3A_96 = tpu.memref_slice %arg7[%dma_start3A_94, %dma_start3A_95] : memref<256x128xf32, #tpu.memory_space<vmem>> -> memref<128x128xf32, #tpu.memory_space<vmem>>
        %dma_start3A_97 = tpu.memref_slice %arg5[%add3A_93] : memref<8192xi32, #tpu.memory_space<vmem>> -> memref<128xi32, #tpu.memory_space<vmem>>
        %dma_start3A_98 = arith.constant 0 : i32
        %dma_start3A_99 = arith.constant 0 : i32
        %dma_start3A_100 = tpu.memref_slice %arg8[%dma_start3A_98, %dma_start3A_99] : memref<4096x128xf32, #tpu.memory_space<vmem_shared>> -> memref<4096x128xf32, #tpu.memory_space<vmem_shared>>
        tpu.enqueue_indirect_dma source(%dma_start3A_100 : memref<4096x128xf32, #tpu.memory_space<vmem_shared>>) target(%dma_start3A_96 : memref<128x128xf32, #tpu.memory_space<vmem>>) offsets(%dma_start3A_97 : memref<128xi32, #tpu.memory_space<vmem>>) semaphore(%arg10 : memref<!tpu.dma_semaphore, #tpu.memory_space<semaphore_mem>>)
        %mul3A_101 = arith.constant 256 : i32
        %mul3A_102 = arith.muli %add3A_89, %mul3A_101 : i32
        %add3A_103 = arith.constant 128 : i32
        %add3A_104 = arith.addi %mul3A_102, %add3A_103 : i32
        %dma_start3A_105 = arith.constant 128 : i32
        %dma_start3A_106 = arith.constant 0 : i32
        %dma_start3A_107 = tpu.memref_slice %arg7[%dma_start3A_105, %dma_start3A_106] : memref<256x128xf32, #tpu.memory_space<vmem>> -> memref<128x128xf32, #tpu.memory_space<vmem>>
        %dma_start3A_108 = tpu.memref_slice %arg5[%add3A_104] : memref<8192xi32, #tpu.memory_space<vmem>> -> memref<128xi32, #tpu.memory_space<vmem>>
        %dma_start3A_109 = arith.constant 0 : i32
        %dma_start3A_110 = arith.constant 0 : i32
        %dma_start3A_111 = tpu.memref_slice %arg8[%dma_start3A_109, %dma_start3A_110] : memref<4096x128xf32, #tpu.memory_space<vmem_shared>> -> memref<4096x128xf32, #tpu.memory_space<vmem_shared>>
        tpu.enqueue_indirect_dma source(%dma_start3A_111 : memref<4096x128xf32, #tpu.memory_space<vmem_shared>>) target(%dma_start3A_107 : memref<128x128xf32, #tpu.memory_space<vmem>>) offsets(%dma_start3A_108 : memref<128xi32, #tpu.memory_space<vmem>>) semaphore(%arg10 : memref<!tpu.dma_semaphore, #tpu.memory_space<semaphore_mem>>)
      } else {
      }
    }
    %scan3A_40 = arith.constant 16 : i32
    return
  }
}

module attributes {stable_mosaic.version = 14 : i64} {
  func.func @_pack_body(%arg0: i32, %arg1: memref<512x768xf32, #tpu.memory_space<vmem>>, %arg2: memref<768x64xf32, #tpu.memory_space<vmem>>, %arg3: memref<512x64xi32, #tpu.memory_space<vmem>>) attributes {dimension_semantics = [#tpu.dimension_semantics<arbitrary>], iteration_bounds = array<i64: 8>, scalar_prefetch = 0 : i64, scratch_operands = 0 : i64, tpu.core_type = #tpu.core_type<tc>, window_params = [{transform_indices = @transform_0, window_bounds = array<i64: 512, 768>}, {pipeline_mode = #tpu.pipeline_mode<synchronous>, transform_indices = @transform_1, window_bounds = array<i64: 768, 64>}, {transform_indices = @transform_2, window_bounds = array<i64: 512, 64>}]} {
    %get3A = arith.constant 0 : index
    %get3A_0 = arith.constant 0 : index
    %get3A_1 = vector.load %arg1[%get3A, %get3A_0] : memref<512x768xf32, #tpu.memory_space<vmem>>, vector<512x768xf32>
    %get3A_2 = arith.constant 0 : index
    %get3A_3 = arith.constant 0 : index
    %get3A_4 = vector.load %arg2[%get3A_2, %get3A_3] : memref<768x64xf32, #tpu.memory_space<vmem>>, vector<768x64xf32>
    %dot_general3A = arith.constant dense<0.000000e+00> : vector<512x64xf32>
    %dot_general3A_5 = tpu.matmul %get3A_1, %get3A_4, %dot_general3A {dimension_numbers = #tpu.dot_dimension_numbers<[1], [0], [0], [1], [0, 0, 1, 1], [], []>, transpose_lhs_hint = false} : vector<512x768xf32>, vector<768x64xf32>, vector<512x64xf32> -> vector<512x64xf32>
    %convert_element_type3A = arith.fptosi %dot_general3A_5 : vector<512x64xf32> to vector<512x64xi32>
    %swap3A = arith.constant 0 : index
    %swap3A_6 = arith.constant 0 : index
    %swap3A_7 = vector.load %arg3[%swap3A, %swap3A_6] : memref<512x64xi32, #tpu.memory_space<vmem>>, vector<512x64xi32>
    tpu.vector_store %arg3[%swap3A, %swap3A_6], %convert_element_type3A {strides = array<i32>} : memref<512x64xi32, #tpu.memory_space<vmem>>, vector<512x64xi32>,
    return
  }
  func.func @transform_0(%arg0: i32) -> (i32, i32) {
    %c0_i32 = arith.constant 0 : i32
    %c0_i32_0 = arith.constant 0 : i32
    return %arg0, %c0_i32 : i32, i32
  }
  func.func @transform_1(%arg0: i32) -> (i32, i32) {
    %c0_i32 = arith.constant 0 : i32
    %c0_i32_0 = arith.constant 0 : i32
    %c0_i32_1 = arith.constant 0 : i32
    return %c0_i32, %c0_i32_0 : i32, i32
  }
  func.func @transform_2(%arg0: i32) -> (i32, i32) {
    %c0_i32 = arith.constant 0 : i32
    %c0_i32_0 = arith.constant 0 : i32
    return %arg0, %c0_i32 : i32, i32
  }
}

module attributes {stable_mosaic.version = 14 : i64} {
  func.func @_pair_table_body(%arg0: i32, %arg1: memref<64x64xf32, #tpu.memory_space<vmem>>, %arg2: memref<512x128xf32, #tpu.memory_space<vmem>>) attributes {dimension_semantics = [#tpu.dimension_semantics<arbitrary>], iteration_bounds = array<i64: 8>, scalar_prefetch = 0 : i64, scratch_operands = 0 : i64, tpu.core_type = #tpu.core_type<tc>, window_params = [{pipeline_mode = #tpu.pipeline_mode<synchronous>, transform_indices = @transform_0, window_bounds = array<i64: 64, 64>}, {transform_indices = @transform_1, window_bounds = array<i64: 512, 128>}]} {
    %mul3A = arith.constant 512 : i32
    %mul3A_0 = arith.muli %arg0, %mul3A : i32
    %iota3A = tpu.iota {dimensions = array<i32: 0>} : vector<512x1xi32>
    %add3A = vector.broadcast %mul3A_0 : i32 to vector<512x1xi32>
    %add3A_1 = arith.addi %add3A, %iota3A : vector<512x1xi32>
    %shift_right_arithmetic3A = arith.constant 6 : i32
    %shift_right_arithmetic3A_2 = vector.broadcast %shift_right_arithmetic3A : i32 to vector<512x1xi32>
    %shift_right_arithmetic3A_3 = arith.shrsi %add3A_1, %shift_right_arithmetic3A_2 : vector<512x1xi32>
    %and3A = arith.constant 63 : i32
    %and3A_4 = vector.broadcast %and3A : i32 to vector<512x1xi32>
    %and3A_5 = arith.andi %add3A_1, %and3A_4 : vector<512x1xi32>
    %iota3A_6 = tpu.iota {dimensions = array<i32: 1>} : vector<1x64xi32>
    %eq3A = vector.broadcast %shift_right_arithmetic3A_3 : vector<512x1xi32> to vector<512x64xi32>
    %eq3A_7 = vector.broadcast %iota3A_6 : vector<1x64xi32> to vector<512x64xi32>
    %eq3A_8 = arith.cmpi eq, %eq3A, %eq3A_7 : vector<512x64xi32>
    %convert_element_type3A = arith.extui %eq3A_8 : vector<512x64xi1> to vector<512x64xi32>
    %convert_element_type3A_9 = arith.sitofp %convert_element_type3A : vector<512x64xi32> to vector<512x64xf32>
    %eq3A_10 = vector.broadcast %and3A_5 : vector<512x1xi32> to vector<512x64xi32>
    %eq3A_11 = vector.broadcast %iota3A_6 : vector<1x64xi32> to vector<512x64xi32>
    %eq3A_12 = arith.cmpi eq, %eq3A_10, %eq3A_11 : vector<512x64xi32>
    %convert_element_type3A_13 = arith.extui %eq3A_12 : vector<512x64xi1> to vector<512x64xi32>
    %convert_element_type3A_14 = arith.sitofp %convert_element_type3A_13 : vector<512x64xi32> to vector<512x64xf32>
    %get3A = arith.constant 0 : index
    %get3A_15 = arith.constant 0 : index
    %get3A_16 = vector.load %arg1[%get3A, %get3A_15] : memref<64x64xf32, #tpu.memory_space<vmem>>, vector<64x64xf32>
    %dot_general3A = arith.constant dense<0.000000e+00> : vector<512x64xf32>
    %dot_general3A_17 = tpu.matmul %convert_element_type3A_9, %get3A_16, %dot_general3A {dimension_numbers = #tpu.dot_dimension_numbers<[1], [0], [0], [1], [0, 0, 1, 1], [], []>, transpose_lhs_hint = false} : vector<512x64xf32>, vector<64x64xf32>, vector<512x64xf32> -> vector<512x64xf32>
    %swap3A = arith.constant 0 : index
    %swap3A_18 = arith.constant 0 : index
    %swap3A_19 = vector.load %arg2[%swap3A, %swap3A_18] : memref<512x128xf32, #tpu.memory_space<vmem>>, vector<512x64xf32>
    tpu.vector_store %arg2[%swap3A, %swap3A_18], %dot_general3A_17 {strides = array<i32>} : memref<512x128xf32, #tpu.memory_space<vmem>>, vector<512x64xf32>,
    %dot_general3A_20 = arith.constant dense<0.000000e+00> : vector<512x64xf32>
    %dot_general3A_21 = tpu.matmul %convert_element_type3A_14, %get3A_16, %dot_general3A_20 {dimension_numbers = #tpu.dot_dimension_numbers<[1], [0], [0], [1], [0, 0, 1, 1], [], []>, transpose_lhs_hint = false} : vector<512x64xf32>, vector<64x64xf32>, vector<512x64xf32> -> vector<512x64xf32>
    %swap3A_22 = arith.constant 0 : index
    %swap3A_23 = arith.constant 64 : index
    %swap3A_24 = vector.load %arg2[%swap3A_22, %swap3A_23] : memref<512x128xf32, #tpu.memory_space<vmem>>, vector<512x64xf32>
    tpu.vector_store %arg2[%swap3A_22, %swap3A_23], %dot_general3A_21 {strides = array<i32>} : memref<512x128xf32, #tpu.memory_space<vmem>>, vector<512x64xf32>,
    return
  }
  func.func @transform_0(%arg0: i32) -> (i32, i32) {
    %c0_i32 = arith.constant 0 : i32
    %c0_i32_0 = arith.constant 0 : i32
    %c0_i32_1 = arith.constant 0 : i32
    return %c0_i32, %c0_i32_0 : i32, i32
  }
  func.func @transform_1(%arg0: i32) -> (i32, i32) {
    %c0_i32 = arith.constant 0 : i32
    %c0_i32_0 = arith.constant 0 : i32
    return %arg0, %c0_i32 : i32, i32
  }
}

</mosaic_0001>

<sc_bundles>
// kernel: kernel.5.cloned.1.call-start
scs
__scs_entry_jumppad:
0x0: {  	(pc) =	sbr.rel $0x88, $3  }
0x1: {  	(tag) =	ssettag $0x0;
	lr =	simm.s32 $0x1  }
0x2: {  	[smem:$0x3F9F] =	sst lr;
	_ =	strace $0xD0000000  }
0x3: {  	_ = 	snop  }
0x4: {  	_ = 	snop  }
0x5: {  	_ = 	snop  }
0x6: {  	_ = 	snop  }
0x7: {  	_ = 	snop  }
__scs_overlays_trampoline_lowered:
0x8: {  	[smem:$0x3FAE] =	sst s0  }
0x9: {  	[smem:$0x3FAF] =	sst s1  }
0xa: {  	[smem:$0x3FB0] =	sst s2  }
0xb: {  	[smem:$0x3FB1] =	sst s3  }
0xc: {  	[smem:$0x3FB2] =	sst s4  }
0xd: {  	[smem:$0x3FB3] =	sst s5  }
0xe: {  	[smem:$0x3FB4] =	sst s6  }
0xf: {  	[smem:$0x3FB5] =	sst s7  }
0x10: {  	[smem:$0x3FB6] =	sst s8  }
0x11: {  	[smem:$0x3FB7] =	sst s9;
	s0 =	simm.s32 @!p0 $0x0  }
0x12: {  	s1 =	sld [smem:$0x3F9D];
	s0 =	simm.s32 @p0 $0x1  }
0x13: {  	[smem:$0x3FB8] =	sst s0;
	s0 =	simm.s32 @!p1 $0x0  }
0x14: {  	s2 =	sld [smem:$0x3F9C];
	s0 =	simm.s32 @p1 $0x1  }
0x15: {  	[smem:$0x3FB9] =	sst s0;
	s0 =	simm.s32 @!p2 $0x0  }
0x16: {  	s3 =	sld [smem:$0x3FDB];
	s0 =	simm.s32 @p2 $0x1  }
0x17: {  	s4 =	simm.s32 $0x1BF5;
	[smem:$0x3FBB] =	sst s0  }
0x18: {  	s0 =	sld [smem:$0x3F9E];
	_ =	swait.ge [sflag:s4], $0x0  }
0x19: {  	s7 =	sld [smem:$0x3F9F]  }
0x1a: {  	s8 =	sadd.s32 $0xFFFFE003, lr  }
0x1b: {  	s9 =	sadd.s32 $0xFFFFFEF7, lr;
	s5 =	simm.s32 $0xFFFFFFFF;
	p2 =	slt.u32 s8, $0xFFFFF086  }
0x1c: {  	p1 =	slt.u32 s9, $0xF7A;
	s5 =	simm.s32 @!p2 $0x0  }
0x1d: {  	s5 =	simm.s32 @p1 $0x1;
	p0 =	seq.s32 s7, s2  }
0x1e: {  	s7 =	smul.u32 @!p0 $0xF7A, s2;
	p2 =	seq.s32 @!p0 s5, $0x0  }
0x1f: {  	s9 =	smul.u32 $0xF7A, s1;
	s8 =	simm.s32 @!p0 $0x1BF5;
	p2 =	por !p2, p0  }
0x20: {  	[sflag:s8] =	ssyncset.s32 @!p0 $0xFFFFF086;
	s6 =	sadd.s32 @!p0 s3, s7;
	s7 =	simm.s32 @!p0 $0x108  }
0x21: {  	s3 =	sadd.s32 s3, s9;
	s6 =	sadd.s32 @!p0 $0x88, s6;
	s7 =	simm.s32 @p2 $0x1082  }
0x22: {  	[simem:s7], [sflag:s8] =	dma.local @!p0 [hbm:s6], $0xF7A  }
0x23: {  	s9 =	sor.u32 $0xD0000000, s2;
	s6 =	simm.s32 $0x108;
	_ =	swait.ge @!p0 [sflag:s8], $0x0  }
0x24: {  	s3 =	sadd.s32 $0x88, s3;
	s6 =	simm.s32 @!p1 $0x1082;
	[sflag:s4] =	ssyncset.s32 $0xFFFFF086  }
0x25: {  	[simem:s6], [sflag:s4] =	dma.local [hbm:s3], $0xF7A  }
0x26: {  	[smem:$0x3F9F] =	sst s1;
	(tag) =	ssettag s2;
	_ =	strace s9  }
0x27: {  	s1 =	sld [smem:$0x3FAF]  }
0x28: {  	s2 =	sld [smem:$0x3FB0]  }
0x29: {  	s4 =	sld [smem:$0x3FB2]  }
0x2a: {  	p0 =	seq.s32 s5, $0x0;
	s5 =	sld [smem:$0x3FB3]  }
0x2b: {  	s6 =	sld [smem:$0x3FB4]  }
0x2c: {  	s7 =	sld [smem:$0x3FB5]  }
0x2d: {  	s3 =	simm.s32 $0x108;
	s8 =	sld [smem:$0x3FB6]  }
0x2e: {  	s3 =	simm.s32 @!p0 $0x1082;
	s9 =	sld [smem:$0x3FB7]  }
0x2f: {  	lr =	sadd.s32 s0, s3;
	s0 =	sld [smem:$0x3FAE]  }
0x30: {  	s3 =	sld [smem:$0x3FB1]  }
0x31: {  	[smem:$0x3FBA] =	sst s10  }
0x32: {  	s10 =	sld [smem:$0x3FB8];
	_ =	sdelay $0x3  }
0x33: {  	p0 =	seq.s32 s10, $0x1;
	s10 =	sld [smem:$0x3FBA];
	_ =	sdelay $0x3  }
0x34: {  	[smem:$0x3FBA] =	sst s10  }
0x35: {  	s10 =	sld [smem:$0x3FB9];
	_ =	sdelay $0x3  }
0x36: {  	p1 =	seq.s32 s10, $0x1;
	s10 =	sld [smem:$0x3FBA];
	_ =	sdelay $0x3  }
0x37: {  	[smem:$0x3FBA] =	sst s10  }
0x38: {  	s10 =	sld [smem:$0x3FBB]  }
0x39: {  	_ = 	snop;
	(pc) =	sbr.ind lr, $3  }
0x3a: {  	_ = 	snop  }
0x3b: {  	_ = 	snop  }
0x3c: {  	p2 =	seq.s32 s10, $0x1;
	s10 =	sld [smem:$0x3FBA]  }
0x3d: {  	_ =	shalt  }
0x3e: {  	_ =	shalt  }
0x3f: {  	_ =	shalt  }
0x40: {  	_ =	shalt  }
0x41: {  	_ =	shalt  }
0x42: {  	_ =	shalt  }
0x43: {  	_ =	shalt  }
0x44: {  	_ =	shalt  }
0x45: {  	_ =	shalt  }
0x46: {  	_ =	shalt  }
0x47: {  	_ =	shalt  }
0x48: {  	_ =	shalt  }
0x49: {  	_ =	shalt  }
0x4a: {  	_ =	shalt  }
0x4b: {  	_ =	shalt  }
0x4c: {  	_ =	shalt  }
0x4d: {  	_ =	shalt  }
0x4e: {  	_ =	shalt  }
0x4f: {  	_ =	shalt  }
0x50: {  	_ =	shalt  }
0x51: {  	_ =	shalt  }
0x52: {  	_ =	shalt  }
0x53: {  	_ =	shalt  }
0x54: {  	_ =	shalt  }
0x55: {  	_ =	shalt  }
0x56: {  	_ =	shalt  }
0x57: {  	_ =	shalt  }
0x58: {  	_ =	shalt  }
0x59: {  	_ =	shalt  }
0x5a: {  	_ =	shalt  }
0x5b: {  	_ =	shalt  }
0x5c: {  	_ =	shalt  }
0x5d: {  	_ =	shalt  }
0x5e: {  	_ =	shalt  }
0x5f: {  	_ =	shalt  }
0x60: {  	_ =	shalt  }
0x61: {  	_ =	shalt  }
0x62: {  	_ =	shalt  }
0x63: {  	_ =	shalt  }
0x64: {  	_ =	shalt  }
0x65: {  	_ =	shalt  }
0x66: {  	_ =	shalt  }
0x67: {  	_ =	shalt  }
0x68: {  	_ =	shalt  }
0x69: {  	_ =	shalt  }
0x6a: {  	_ =	shalt  }
0x6b: {  	_ =	shalt  }
0x6c: {  	_ =	shalt  }
0x6d: {  	_ =	shalt  }
0x6e: {  	_ =	shalt  }
0x6f: {  	_ =	shalt  }
0x70: {  	_ =	shalt  }
0x71: {  	_ =	shalt  }
0x72: {  	_ =	shalt  }
0x73: {  	_ =	shalt  }
0x74: {  	_ =	shalt  }
0x75: {  	_ =	shalt  }
0x76: {  	_ =	shalt  }
0x77: {  	_ =	shalt  }
0x78: {  	_ =	shalt  }
0x79: {  	_ =	shalt  }
0x7a: {  	_ =	shalt  }
0x7b: {  	_ =	shalt  }
0x7c: {  	_ =	shalt  }
0x7d: {  	_ =	shalt  }
0x7e: {  	_ =	shalt  }
0x7f: {  	_ =	shalt  }
0x80: {  	_ =	shalt  }
0x81: {  	_ =	shalt  }
0x82: {  	_ =	shalt  }
0x83: {  	_ =	shalt  }
0x84: {  	_ =	shalt  }
0x85: {  	_ =	shalt  }
0x86: {  	_ =	shalt  }
0x87: {  	_ =	shalt  }
.Lfunc_end0:
.L_simem_size_0:
called_computation_lowered:
.L_overlay_start_0:
0x88: {  	s2 =	sld [smem:$0x3FD9]  }
0x89: {  	s3 =	sld [smem:$0x3FFE];
	_ =	sdelay $0x1  }
0x8a: {  	s1 =	srdreg.scid  }
0x8b: {  	s0 =	sand.u32 $0x1, s1  }
0x8c: {  	s17 =	sshll.u32 s0, $0xA;
	s2 =	sadd.s32 s3, s2  }
0x8d: {  	s2 =	sadd.s32 s2, s17  }
0x8e: {  	[smem:$0x3FC6] =	sst s2  }
0x8f: {  	_ = 	snop  }
0x90: {  	s2 =	sld [smem:$0x3FD0];
	(tm) =	ssettm $0x1  }
0x91: {  	s18 =	sld [smem:$0x3FFB];
	_ =	sdelay $0x3  }
0x92: {  	_ =	strace s18  }
0x93: {  	s3 =	sld [smem:$0x3FFC];
	_ =	sdelay $0x3  }
0x94: {  	_ =	strace s3  }
0x95: {  	s3 =	sld [smem:$0x3FFD];
	_ =	sdelay $0x3  }
0x96: {  	_ =	strace s3  }
0x97: {  	_ =	strace $0x8FFFFFFF  }
0x98: {  	s19 =	sld [smem:$0x3FDB];
	_ =	sdelay $0x1  }
0x99: {  	s4 =	simm.s32 $_scs_section_size  }
0x9a: {  	s5 =	simm.s32 $_size__tile_overlayer_lowered;
	s6 =	simm.s32 $_tile_overlayer_lowered  }
0x9b: {  	s22 =	simm.s32 $0x1BFF;
	s21 =	sshll.u32 s6, $0x1;
	s3 =	sadd.s32 s4, s19  }
0x9c: {  	s7 =	simm.s32 $0x0;
	s20 =	sshll.u32 s5, $0x1;
	s5 =	sadd.s32 s21, s3  }
0x9d: {  	[timem:s7], [sflag:s22] =	dma.local [hbm:s5], s20  }
0x9e: {  	_ =	swait.ge [sflag:s22], s20  }
0x9f: {  	s4 =	ssub.s32 $0x0, s20;
	[sflag:s22] =	ssyncset.done $0x0  }
0xa0: {  	[sflag:s22] =	ssyncadd.s32 s4;
	_ =	sdelay $0x1  }
0xa1: {  	s23 =	simm.s32 $0x1B8B  }
0xa2: {  	_ =	swait.ge [sflag:s23], $0x1  }
0xa3: {  	[sflag:s23] =	ssyncset.done $0x0  }
0xa4: {  	s25 =	simm.s32 $0x1B8E;
	s24 =	sld [smem:$0x3FFE];
	[sflag:s23] =	ssyncadd.s32 $0xFFFFFFFF  }
0xa5: {  	s26 =	simm.s32 $execute0_lowered;
	[smem:$0x3FD2] =	sst s25  }
0xa6: {  	s5 =	sshll.u32 s26, $0x1;
	_ =	strace $0x80000046;
	[dreg:$0x1] =	wrdreg $0xFFFFFFFF  }
0xa7: {  	s28 =	simm.s32 $_size_execute0_lowered;
	s3 =	sadd.s32 s3, s5;
	[dreg:$0x0] =	wrdreg $0x0  }
0xa8: {  	s5 =	sshll.u32 s28, $0x1;
	[dreg:$0x2] =	wrdreg s3  }
0xa9: {  	[dreg:$0x3] =	wrdreg s5  }
0xaa: {  	[dreg:$0x4] =	wrdreg $0xC0  }
0xab: {  	_ =	task [dreg:s7], $0x5FFFF  }
0xac: {  	[dreg:$0x1] =	wrdreg $0xFFFFFFFF  }
0xad: {  	[dreg:$0x0] =	wrdreg $0x60  }
0xae: {  	[dreg:$0x2] =	wrdreg s2  }
0xaf: {  	[dreg:$0x3] =	wrdreg s24  }
0xb0: {  	[dreg:$0x4] =	wrdreg $0x120000  }
0xb1: {  	[dreg:$0x5] =	wrdreg $0x9  }
0xb2: {  	_ =	task.clear_ibuf [dreg:s7], $0x6FFFF;
	_ =	strace $0x90000046  }
0xb3: {  	s29 =	simm.s32 $0x9;
	_ =	strace $0x80000048  }
0xb4: {  	_ =	swait.ge [sflag:s29], $0x1  }
0xb5: {  	[sflag:s29] =	ssyncadd.s32 $0xFFFFFFFF  }
0xb6: {  	_ =	strace $0x90000048  }
0xb7: {  	_ =	sfence  }
0xb8: {  	s30 =	sld [smem:$0x0];
	_ =	sdelay $0x2  }
0xb9: {  	s31 =	sshll.u32 s1, $0xD;
	s1 =	sshrl.u32 s1, $0x2  }
0xba: {  	s3 =	sand.u32 $0x4000, s31;
	s1 =	sadd.s32 s1, s30  }
0xbb: {  	s0 =	sor.u32 s3, s0;
	s1 =	sshll.u32 s1, $0x11  }
0xbc: {  	s0 =	sor.u32 s1, s0  }
0xbd: {  	s0 =	sadd.s32 $0x8F2B, s0  }
0xbe: {  	[sflag:s0] =	ssyncadd.remote.s32 $0x1  }
0xbf: {  	_ =	sfence.sel $0xFFFF  }
0xc0: {  	[dreg:$0x0] =	wrdreg $0xFFFFFFFF;
	(pc) =	sbr.abs _section_cstart, $3  }
0xc1: {  	[dreg:$0x1] =	wrdreg $0xFFFFFFFF  }
0xc2: {  	_ =	task.clear_ibuf [dreg:s7], $0x2FFFF;
	_ =	strace $0x9FFFFFFF  }
0xc3: {  	(tm) =	ssettm $0x7FFFFFFF  }
tec
execute0_lowered:
.L_overlay_start_1:
0x0: {  	(tag) =	ssettag $0x1  }
0x1: {  	s0 =	rddreg [dreg:$0x0];
	s1 =	srdreg.scid  }
0x2: {  	s4 =	rddreg [dreg:$0x1];
	s7 =	stileid.u32  }
0x3: {  	s2 =	rddreg [dreg:$0x2];
	s3 =	simm.s32 $0x0;
	s12 =	simm.s32 $0x2000  }
0x4: {  	s13 =	simm.s32 $0x6000;
	s14 =	simm.s32 $0x100;
	s15 =	simm.s32 $0xA000  }
0x5: {  	s16 =	simm.s32 $0x180;
	s17 =	simm.s32 $0xE000;
	s18 =	simm.s32 $0x1  }
0x6: {  	s19 =	simm.s32 $0x3;
	s20 =	simm.s32 $0x2;
	s21 =	simm.s32 $0x0  }
0x7: {  	s8 =	sand.u32 $0x1, s1;
	s5 =	sshll.u32 s7, $0xE;
	s1 =	rddreg [dreg:$0x3]  }
0x8: {  	[smem:$0x7FF] =	sst s3;
	s10 =	sadd.s32 $0x8200, s4;
	s31 =	sshll.u32 s7, $0x12  }
0x9: {  	p0 =	sne.s32 s7, $0x0;
	s6 =	sshll.u32 s8, $0xD;
	_ =	strace $0x80000047  }
0xa: {  	s9 =	ssub.s32 $0x2, s8;
	s8 =	sshll.u32 s8, $0x11;
	s5 =	sor.u32 s6, s5  }
0xb: {  	s30 =	sshrl.u32 s9, $0x1;
	s6 =	sshrl.u32 s5, $0x3;
	s5 =	sshll.u32 s5, $0x4  }
0xc: {  	s9 =	ssub.s32 s9, s30;
	s6 =	sadd.s32 s6, s4;
	s11 =	sadd.s32 s10, s5  }
0xd: {  	s5 =	smax.u32 s9, $0x1;
	s9 =	sadd.s32 s31, s10;
	s10 =	simm.s32 $0x4  }
0xe: {  	s4 =	sadd.s32 $0x200, s6;
	s6 =	sadd.s32 $0x1E000, s11;
	s7 =	sadd.s32 $0x1F000, s11  }
0xf: {  	s8 =	sadd.s32 s8, s9;
	s9 =	sshrl.u32 @!p0 s2, $0x3;
	s11 =	simm.s32 $0x80  }
.LBB2_1:
0x10: {  	s22 =	simm.s32 @!p0 $0x1C04  }
0x11: {  	[spmem:s9], [sflag:s22] =	dma.local @!p0 [hbm:s0], $0x10000  }
0x12: {  	s22 =	simm.s32 @!p0 $0x4  }
0x13: {  	_ =	swait.ge @!p0 [sflag:s22], $0x10000  }
0x14: {  	[sflag:s22] =	ssyncset.done @!p0 $0x0  }
0x15: {  	[sflag:s22] =	ssyncadd.s32 @!p0 $0xFFFF0000  }
0x16: {  	[tilespmem:s3], [sflag:$0x4] =	stream.linear.gather [hbm4b:s4+s3], $0x2000, $0x38;
	[tilespmem:$0x1A000] =	vst v63  }
0x17: {  	_ =	swait.ge [sflag:s10], $0x2000  }
0x18: {  	[sflag:s10] =	ssyncset.done $0x0  }
0x19: {  	[sflag:s10] =	ssyncadd.s32 $0xFFFFE000  }
0x1a: {  	[bflag:$0x0] =	sbarrier.arrive $0xFFFF  }
0x1b: {  	[tilespmem:s12], [sflag:$0x1] =	stream.indirect.gather [spmem:s2], $0x80, s3, s11, $0xb8;
	[tilespmem:$0x1A000] =	vst v63  }
0x1c: {  	_ = 	snop  }
0x1d: {  	[tilespmem:s13], [sflag:$0x1] =	stream.indirect.gather [spmem:s2], $0x80, s11, s11, $0xb8;
	[tilespmem:$0x1A000] =	vst v63  }
0x1e: {  	_ = 	snop  }
0x1f: {  	[tilespmem:s15], [sflag:$0x2] =	stream.indirect.gather [spmem:s2], $0x80, s14, s11, $0xb8;
	[tilespmem:$0x1A000] =	vst v63  }
0x20: {  	_ = 	snop  }
0x21: {  	[tilespmem:s17], [sflag:$0x2] =	stream.indirect.gather [spmem:s2], $0x80, s16, s11, $0xb8;
	[tilespmem:$0x1A000] =	vst v63  }
0x22: {  	_ =	swait.ge [sflag:s18], $0x8000  }
0x23: {  	[sflag:s18] =	ssyncset.done $0x0  }
0x24: {  	[sflag:s18] =	ssyncadd.s32 $0xFFFF8000  }
0x25: {  	[hbm4b:s8+s3] =	stream.linear.scatter [tilespmem:s12], [sflag:$0x3], $0x8000, $0x38;
	[tilespmem:$0x1A000] =	vst v63  }
0x26: {  	_ =	swait.ge [sflag:s19], $0x8000  }
0x27: {  	[sflag:s19] =	ssyncset.done $0x0  }
0x28: {  	s28 =	simm.s32 $0x200;
	[sflag:s19] =	ssyncadd.s32 $0xFFFF8000  }
0x29: {  	[tilespmem:s12], [sflag:$0x1] =	stream.indirect.gather [spmem:s2], $0x80, s28, s11, $0xb8;
	[tilespmem:$0x1A000] =	vst v63  }
0x2a: {  	s29 =	simm.s32 $0x280  }
0x2b: {  	[tilespmem:s13], [sflag:$0x1] =	stream.indirect.gather [spmem:s2], $0x80, s29, s11, $0xb8;
	[tilespmem:$0x1A000] =	vst v63  }
0x2c: {  	_ =	swait.ge [sflag:s20], $0x8000  }
0x2d: {  	[sflag:s20] =	ssyncset.done $0x0  }
0x2e: {  	s30 =	sadd.s32 $0x1000, s8;
	[sflag:s20] =	ssyncadd.s32 $0xFFFF8000  }
0x2f: {  	[hbm4b:s30+s3] =	stream.linear.scatter [tilespmem:s15], [sflag:$0x3], $0x8000, $0x38;
	[tilespmem:$0x1A000] =	vst v63  }
0x30: {  	_ =	swait.ge [sflag:s19], $0x8000  }
0x31: {  	s31 =	simm.s32 $0x300;
	s24 =	simm.s32 $0x380;
	[sflag:s19] =	ssyncset.done $0x0  }
0x32: {  	s23 =	sadd.s32 $0x2000, s8;
	s22 =	simm.s32 $0x800;
	[sflag:s19] =	ssyncadd.s32 $0xFFFF8000  }
0x33: {  	[tilespmem:s15], [sflag:$0x2] =	stream.indirect.gather [spmem:s2], $0x80, s31, s11, $0xb8;
	[tilespmem:$0x1A000] =	vst v63  }
.LBB2_2:
0x34: {  	[tilespmem:s17], [sflag:$0x2] =	stream.indirect.gather [spmem:s2], $0x80, s24, s11, $0xb8;
	[tilespmem:$0x1A000] =	vst v63  }
0x35: {  	s24 =	smov.u32 s22  }
0x36: {  	p1 =	sne.s32 s22, $0x7000;
	s22 =	sadd.s32 $0x800, s22;
	_ =	swait.ge [sflag:s18], $0x8000  }
0x37: {  	[sflag:s18] =	ssyncset.done $0x0  }
0x38: {  	[sflag:s18] =	ssyncadd.s32 $0xFFFF8000  }
0x39: {  	[hbm4b:s23+s3] =	stream.linear.scatter [tilespmem:s12], [sflag:$0x3], $0x8000, $0x38;
	[tilespmem:$0x1A000] =	vst v63  }
0x3a: {  	_ =	swait.ge [sflag:s19], $0x8000  }
0x3b: {  	s24 =	sshra.s32 s24, $0x2;
	[sflag:s19] =	ssyncset.done $0x0  }
0x3c: {  	s25 =	sadd.s32 $0x200, s24;
	[sflag:s19] =	ssyncadd.s32 $0xFFFF8000  }
0x3d: {  	[tilespmem:s12], [sflag:$0x1] =	stream.indirect.gather [spmem:s2], $0x80, s25, s11, $0xb8;
	[tilespmem:$0x1A000] =	vst v63  }
0x3e: {  	s25 =	sadd.s32 $0x280, s24  }
0x3f: {  	[tilespmem:s13], [sflag:$0x1] =	stream.indirect.gather [spmem:s2], $0x80, s25, s11, $0xb8;
	[tilespmem:$0x1A000] =	vst v63  }
0x40: {  	_ =	swait.ge [sflag:s20], $0x8000  }
0x41: {  	[sflag:s20] =	ssyncset.done $0x0  }
0x42: {  	s25 =	sadd.s32 $0x1000, s23;
	[sflag:s20] =	ssyncadd.s32 $0xFFFF8000  }
0x43: {  	[hbm4b:s25+s3] =	stream.linear.scatter [tilespmem:s15], [sflag:$0x3], $0x8000, $0x38;
	[tilespmem:$0x1A000] =	vst v63  }
.Ltmp0:
0x44: {  	_ =	swait.ge [sflag:s19], $0x8000;
	(pc) =	sbr.rel @p1 .LBB2_2-.Ltmp0, $4  }
0x45: {  	[sflag:s19] =	ssyncset.done $0x0  }
0x46: {  	s25 =	sadd.s32 $0x300, s24;
	[sflag:s19] =	ssyncadd.s32 $0xFFFF8000  }
0x47: {  	[tilespmem:s15], [sflag:$0x2] =	stream.indirect.gather [spmem:s2], $0x80, s25, s11, $0xb8;
	[tilespmem:$0x1A000] =	vst v63  }
0x48: {  	s23 =	sadd.s32 $0x2000, s23;
	s24 =	sadd.s32 $0x380, s24  }
0x49: {  	[tilespmem:s17], [sflag:$0x2] =	stream.indirect.gather [spmem:s2], $0x80, s24, s11, $0xb8;
	[tilespmem:$0x1A000] =	vst v63  }
0x4a: {  	_ =	swait.ge [sflag:s18], $0x8000  }
0x4b: {  	[sflag:s18] =	ssyncset.done $0x0  }
0x4c: {  	[sflag:s18] =	ssyncadd.s32 $0xFFFF8000  }
0x4d: {  	[hbm4b:s6+s3] =	stream.linear.scatter [tilespmem:s12], [sflag:$0x3], $0x8000, $0x38;
	[tilespmem:$0x1A000] =	vst v63  }
0x4e: {  	_ =	swait.ge [sflag:s19], $0x8000  }
0x4f: {  	[sflag:s19] =	ssyncset.done $0x0  }
0x50: {  	[sflag:s19] =	ssyncadd.s32 $0xFFFF8000  }
0x51: {  	s21 =	sadd.s32 $0x1, s21;
	_ =	swait.ge [sflag:s20], $0x8000  }
0x52: {  	p1 =	sne.s32 s21, s5;
	[sflag:s20] =	ssyncset.done $0x0  }
.Ltmp1:
0x53: {  	[sflag:s20] =	ssyncadd.s32 $0xFFFF8000;
	(pc) =	sbr.rel @p1 .LBB2_1-.Ltmp1, $4  }
0x54: {  	[hbm4b:s7+s3] =	stream.linear.scatter [tilespmem:s15], [sflag:$0x3], $0x8000, $0x38;
	[tilespmem:$0x1A000] =	vst v63  }
0x55: {  	_ =	swait.ge [sflag:s19], $0x8000  }
0x56: {  	[sflag:s19] =	ssyncset.done $0x0  }
0x57: {  	[sflag:s19] =	ssyncadd.s32 $0xFFFF8000  }
0x58: {  	_ =	sfence.sel $0x180000  }
0x59: {  	[bflag:$0x0] =	sbarrier.arrive $0xFFFF  }
0x5a: {  	_ =	strace $0x90000047  }
0x5b: {  	s0 =	sadd.s32 @!p0 $0x100000, s1;
	[bflag:$0x2] =	sbarrier.arrive $0xFFFF  }
0x5c: {  	[sflag:s0] =	ssyncadd.tile.s32 @!p0 $0x1;
	_ =	shalt  }
.Lfunc_end2:
_tile_overlayer_lowered:
.L_overlay_start_2:
0x5d: {  	(tag) =	ssettag $0x2  }
0x5e: {  	s0 =	rddreg [dreg:$0x0];
	s2 =	stileid.u32  }
0x5f: {  	s1 =	rddreg [dreg:$0x1];
	p0 =	sne.s32 s2, $0x0  }
0x60: {  	s3 =	rddreg [dreg:$0x2];
	[bflag:$0x3] =	sbarrier.arrive $0xFFFF;
	s2 =	simm.s32 @!p0 $0x1C04  }
0x61: {  	[timem:s3], [sflag:s2] =	dma.local @!p0 [hbm:s0], s1  }
0x62: {  	s0 =	simm.s32 @!p0 $0x4  }
0x63: {  	_ =	swait.ge @!p0 [sflag:s0], s1  }
0x64: {  	s1 =	ssub.s32 @!p0 $0x0, s1;
	[sflag:s0] =	ssyncset.done @!p0 $0x0  }
0x65: {  	[sflag:s0] =	ssyncadd.s32 @!p0 s1  }
0x66: {  	[bflag:$0x3] =	sbarrier.arrive $0xFFFF  }
0x67: {  	_ =	shalt  }

</sc_bundles>
